<compile_context>
chip_gen: v7x
topology: tpu7x:2x2x1
jax: 0.10.2.dev20260603
libtpu: 0.0.44.dev20260713+nightly
codegen_flags: <defaults>
</compile_context>

<pallas_src>
import jax
import jax.numpy as jnp
from jax import lax
from jax.experimental import pallas as pl
from jax.experimental.pallas import tpu as pltpu
from jax.experimental.pallas import tpu_sc as plsc

_N = 10000
_E = 320000
_D = 128
_DO = 16
_NW = 32
_L = 16
_NPAD = 10240


_EC = 9984
_ER = _E - _NW * _EC


def _hist_body(edge_hbm, out_hbm, idx_v, rem_v, cnt_v, sem):
    wid = lax.axis_index("s") * 2 + lax.axis_index("c")
    cp = pltpu.make_async_copy(
        edge_hbm.at[:, pl.ds(wid * _EC, _EC)], idx_v, sem)
    cp.start()
    rcp = pltpu.make_async_copy(
        edge_hbm.at[:, pl.ds(_NW * _EC, _ER)], rem_v, sem)

    @pl.when(wid == _NW - 1)
    def _():
        rcp.start()

    zeros = jnp.zeros((_L,), jnp.float32)

    def zero_body(i, carry):
        cnt_v[pl.ds(i * _L, _L)] = zeros
        return carry

    lax.fori_loop(0, _NPAD // _L, zero_body, 0, unroll=8)
    cp.wait()

    ones = jnp.ones((_L,), jnp.float32)

    def scat_body(i, carry):
        idx = idx_v[0, pl.ds(i * _L, _L)]
        plsc.addupdate_scatter(cnt_v, [idx], ones)
        return carry

    lax.fori_loop(0, _EC // _L, scat_body, 0, unroll=4)

    @pl.when(wid == _NW - 1)
    def _():
        rcp.wait()

        def rem_body(i, carry):
            idx = rem_v[0, pl.ds(i * _L, _L)]
            plsc.addupdate_scatter(cnt_v, [idx], ones)
            return carry

        lax.fori_loop(0, _ER // _L, rem_body, 0, unroll=4)

    pltpu.sync_copy(cnt_v, out_hbm.at[wid])


_hist = pl.kernel(
    _hist_body,
    out_type=jax.ShapeDtypeStruct((_NW, _NPAD), jnp.float32),
    mesh=plsc.VectorSubcoreMesh(core_axis_name="c", subcore_axis_name="s"),
    scratch_types=[
        pltpu.VMEM((2, _EC), jnp.int32),
        pltpu.VMEM((2, _ER), jnp.int32),
        pltpu.VMEM((_NPAD,), jnp.float32),
        pltpu.SemaphoreType.DMA,
    ],
    compiler_params=pltpu.CompilerParams(needs_layout_passes=False),
)


_TA = 2000


def _enc_a_body(x_ref, w1_ref, b1_ref, a_ref, s1_ref, acc_ref):
    i = pl.program_id(0)

    @pl.when(i == 0)
    def _():
        acc_ref[...] = jnp.zeros_like(acc_ref)

    a = jnp.dot(x_ref[...], w1_ref[...], preferred_element_type=jnp.float32)
    a = jnp.maximum(a + b1_ref[...], 0.0)
    a_ref[...] = a.astype(jnp.bfloat16)
    acc_ref[...] += jnp.sum(a, axis=0, keepdims=True)

    @pl.when(i == pl.num_programs(0) - 1)
    def _():
        s1_ref[...] = acc_ref[...]


def _enc_a(x, W1, b1):
    return pl.pallas_call(
        _enc_a_body,
        grid=(_N // _TA,),
        in_specs=[
            pl.BlockSpec((_TA, _D), lambda i: (i, 0)),
            pl.BlockSpec((_D, _D), lambda i: (0, 0)),
            pl.BlockSpec((1, _D), lambda i: (0, 0)),
        ],
        out_specs=[
            pl.BlockSpec((_TA, _D), lambda i: (i, 0)),
            pl.BlockSpec((1, _D), lambda i: (0, 0)),
        ],
        out_shape=[
            jax.ShapeDtypeStruct((_N, _D), jnp.bfloat16),
            jax.ShapeDtypeStruct((1, _D), jnp.float32),
        ],
        scratch_shapes=[pltpu.VMEM((1, _D), jnp.float32)],
    )(x, W1, b1)


def _enc_b_body(cnt_ref, a_ref, s1_ref, w2_ref, b2_ref, wp_ref, bp_ref,
                out_ref):
    c = jnp.sum(cnt_ref[...], axis=0, keepdims=True)
    v = jnp.dot(c[:, :_N].astype(jnp.bfloat16), a_ref[...],
                preferred_element_type=jnp.float32) + s1_ref[...]
    pooled = jnp.dot(v, w2_ref[...], preferred_element_type=jnp.float32)
    pooled = (pooled + float(_N + _E) * b2_ref[...]) * (1.0 / _N)
    out_ref[...] = jnp.dot(pooled, wp_ref[...],
                           preferred_element_type=jnp.float32) + bp_ref[...]


def _enc_b(counts, a, s1, W2, b2, Wp, bp):
    return pl.pallas_call(
        _enc_b_body,
        out_shape=jax.ShapeDtypeStruct((1, _DO), jnp.float32),
    )(counts, a, s1, W2, b2, Wp, bp)


def kernel(node_features, edge_index, W1, b1, W2, b2, Wp, bp):
    counts = _hist(edge_index.astype(jnp.int32))
    a, s1 = _enc_a(node_features, W1, b1.reshape(1, _D))
    out = _enc_b(counts, a, s1, W2, b2.reshape(1, _D), Wp,
                 bp.reshape(1, _DO))
    return out.reshape(_DO)

# --- scband reference (transcript-rebuilt; emitter-appended) ---
"""Pipeline reference for scband-simple-gnn-1434519077392 (READ-ONLY COPY).

The authoritative reference and input builder live on the scoring server;
editing this copy changes nothing except your own understanding.
"""

import jax, jax.numpy as jnp
import numpy as np

N_NODES = 10000
N_EDGES = 320000
D_IN = 128
D_HID = 128
D_OUT = 16

def setup_inputs(seed: int = 0) -> dict:
    key = jax.random.key(seed)
    ks = jax.random.split(key, 8)
    x = jax.random.normal(ks[0], (N_NODES, D_IN), dtype=jnp.float32)
    edge_index = jax.random.randint(ks[1], (2, N_EDGES), 0, N_NODES, dtype=jnp.int64 if jax.config.jax_enable_x64 else jnp.int32)
    W1 = jax.random.normal(ks[2], (D_IN, D_HID), dtype=jnp.float32) * (1.0 / np.sqrt(D_IN))
    b1 = jnp.zeros((D_HID,), dtype=jnp.float32)
    W2 = jax.random.normal(ks[3], (D_HID, D_HID), dtype=jnp.float32) * (1.0 / np.sqrt(D_HID))
    b2 = jnp.zeros((D_HID,), dtype=jnp.float32)
    Wp = jax.random.normal(ks[4], (D_HID, D_OUT), dtype=jnp.float32) * (1.0 / np.sqrt(D_HID))
    bp = jnp.zeros((D_OUT,), dtype=jnp.float32)
    return {"node_features": x, "edge_index": edge_index, "W1": W1, "b1": b1, "W2": W2, "b2": b2, "Wp": Wp, "bp": bp}

def reference(node_features, edge_index, W1, b1, W2, b2, Wp, bp):
    # encoder: Linear -> ReLU -> Linear
    h = jnp.maximum(node_features @ W1 + b1, 0.0) @ W2 + b2
    src = edge_index[0]
    dst = edge_index[1]
    # messages[dst] += h[src]  (scatter-add over edges)
    messages = jnp.zeros_like(h).at[dst].add(h[src])
    h = h + messages
    # mean pool over nodes, then pooling linear
    pooled = jnp.mean(h, axis=0)
    return pooled @ Wp + bp

if __name__ == "__main__":
    import jax
    _d = setup_inputs()
    print(jax.jit(kernel)(*tuple(_d.values())))

</pallas_src>

<mosaic_0001>
#map = affine_map<(d0, d1) -> (0, 0)>
module attributes {stable_mosaic.version = 14 : i64} {
  func.func @_hist_body(%arg0: i32, %arg1: i32, %arg2: memref<2x320000xi32, #tpu.memory_space<hbm>>, %arg3: memref<32x10240xf32, #tpu.memory_space<hbm>>, %arg4: memref<2x9984xi32, #tpu.memory_space<vmem>>, %arg5: memref<2x512xi32, #tpu.memory_space<vmem>>, %arg6: memref<10240xf32, #tpu.memory_space<vmem>>, %arg7: memref<!tpu.dma_semaphore, #tpu.memory_space<semaphore_mem>>) attributes {dimension_semantics = [#tpu.dimension_semantics<core_parallel>, #tpu.dimension_semantics<subcore_parallel>], iteration_bounds = array<i64: 2, 16>, scalar_prefetch = 0 : i64, scratch_operands = 4 : i64, tpu.core_type = #tpu.core_type<sc_vector_subcore>, window_params = [{transform_indices = #map}, {transform_indices = #map}]} {
    %mul3A = arith.constant 2 : i32
    %mul3A_0 = arith.muli %arg1, %mul3A : i32
    %add3A = arith.addi %mul3A_0, %arg0 : i32
    %mul3A_1 = arith.constant 9984 : i32
    %mul3A_2 = arith.muli %add3A, %mul3A_1 : i32
    %dma_start3A = arith.constant 0 : i32
    %dma_start3A_3 = tpu.memref_slice %arg2[%dma_start3A, %mul3A_2] : memref<2x320000xi32, #tpu.memory_space<hbm>> -> memref<2x9984xi32, #tpu.memory_space<hbm>>
    %dma_start3A_4 = arith.constant 0 : i32
    %dma_start3A_5 = tpu.memref_slice %arg2[%dma_start3A_4, %mul3A_2] : memref<2x320000xi32, #tpu.memory_space<hbm>> -> memref<2x9984xi32, #tpu.memory_space<hbm>>
    tpu.enqueue_dma source(%dma_start3A_5 : memref<2x9984xi32, #tpu.memory_space<hbm>>) target(%arg4 : memref<2x9984xi32, #tpu.memory_space<vmem>>) target_semaphore(%arg7 : memref<!tpu.dma_semaphore, #tpu.memory_space<semaphore_mem>>)
    %eq3A = arith.constant 31 : i32
    %eq3A_6 = arith.cmpi eq, %add3A, %eq3A : i32
    %convert_element_type3A = arith.extui %eq3A_6 : i1 to i32
    %cond3A = arith.constant 0 : i32
    %cond3A_7 = arith.cmpi ne, %convert_element_type3A, %cond3A : i32
    scf.if %cond3A_7 {
      %dma_start3A_30 = arith.constant 0 : i32
      %dma_start3A_31 = arith.constant 319488 : i32
      %dma_start3A_32 = tpu.memref_slice %arg2[%dma_start3A_30, %dma_start3A_31] : memref<2x320000xi32, #tpu.memory_space<hbm>> -> memref<2x512xi32, #tpu.memory_space<hbm>>
      %dma_start3A_33 = arith.constant 0 : i32
      %dma_start3A_34 = arith.constant 319488 : i32
      %dma_start3A_35 = tpu.memref_slice %arg2[%dma_start3A_33, %dma_start3A_34] : memref<2x320000xi32, #tpu.memory_space<hbm>> -> memref<2x512xi32, #tpu.memory_space<hbm>>
      tpu.enqueue_dma source(%dma_start3A_35 : memref<2x512xi32, #tpu.memory_space<hbm>>) target(%arg5 : memref<2x512xi32, #tpu.memory_space<vmem>>) target_semaphore(%arg7 : memref<!tpu.dma_semaphore, #tpu.memory_space<semaphore_mem>>)
    } else {
    }
    %broadcast_in_dim3A = arith.constant 0.000000e+00 : f32
    %broadcast_in_dim3A_8 = vector.broadcast %broadcast_in_dim3A : f32 to vector<16xf32>
    %scan3A = arith.constant 0 : i32
    %scan3A_9 = arith.constant 0 : i32
    %scan3A_10 = arith.constant 640 : i32
    %scan3A_11 = arith.addi %scan3A_9, %scan3A_10 : i32
    %scan3A_12 = arith.constant 8 : i32
    scf.for %scan3A_30 = %scan3A_9 to %scan3A_11 step %scan3A_12  : i32 {
      %mul3A_31 = arith.constant 16 : i32
      %mul3A_32 = arith.muli %scan3A_30, %mul3A_31 : i32
      %swap3A = arith.index_cast %mul3A_32 : i32 to index
      %swap3A_33 = tpu.vector_load %arg6[%swap3A] {strides = array<i32>} : memref<10240xf32, #tpu.memory_space<vmem>>, vector<16xf32>,
      tpu.vector_store %arg6[%swap3A], %broadcast_in_dim3A_8 {strides = array<i32>} : memref<10240xf32, #tpu.memory_space<vmem>>, vector<16xf32>,
      %scan3A_34 = arith.constant 1 : i32
      %scan3A_35 = arith.addi %scan3A_30, %scan3A_34 : i32
      %mul3A_36 = arith.constant 16 : i32
      %mul3A_37 = arith.muli %scan3A_35, %mul3A_36 : i32
      %swap3A_38 = arith.index_cast %mul3A_37 : i32 to index
      %swap3A_39 = tpu.vector_load %arg6[%swap3A_38] {strides = array<i32>} : memref<10240xf32, #tpu.memory_space<vmem>>, vector<16xf32>,
      tpu.vector_store %arg6[%swap3A_38], %broadcast_in_dim3A_8 {strides = array<i32>} : memref<10240xf32, #tpu.memory_space<vmem>>, vector<16xf32>,
      %scan3A_40 = arith.constant 2 : i32
      %scan3A_41 = arith.addi %scan3A_30, %scan3A_40 : i32
      %mul3A_42 = arith.constant 16 : i32
      %mul3A_43 = arith.muli %scan3A_41, %mul3A_42 : i32
      %swap3A_44 = arith.index_cast %mul3A_43 : i32 to index
      %swap3A_45 = tpu.vector_load %arg6[%swap3A_44] {strides = array<i32>} : memref<10240xf32, #tpu.memory_space<vmem>>, vector<16xf32>,
      tpu.vector_store %arg6[%swap3A_44], %broadcast_in_dim3A_8 {strides = array<i32>} : memref<10240xf32, #tpu.memory_space<vmem>>, vector<16xf32>,
      %scan3A_46 = arith.constant 3 : i32
      %scan3A_47 = arith.addi %scan3A_30, %scan3A_46 : i32
      %mul3A_48 = arith.constant 16 : i32
      %mul3A_49 = arith.muli %scan3A_47, %mul3A_48 : i32
      %swap3A_50 = arith.index_cast %mul3A_49 : i32 to index
      %swap3A_51 = tpu.vector_load %arg6[%swap3A_50] {strides = array<i32>} : memref<10240xf32, #tpu.memory_space<vmem>>, vector<16xf32>,
      tpu.vector_store %arg6[%swap3A_50], %broadcast_in_dim3A_8 {strides = array<i32>} : memref<10240xf32, #tpu.memory_space<vmem>>, vector<16xf32>,
      %scan3A_52 = arith.constant 4 : i32
      %scan3A_53 = arith.addi %scan3A_30, %scan3A_52 : i32
      %mul3A_54 = arith.constant 16 : i32
      %mul3A_55 = arith.muli %scan3A_53, %mul3A_54 : i32
      %swap3A_56 = arith.index_cast %mul3A_55 : i32 to index
      %swap3A_57 = tpu.vector_load %arg6[%swap3A_56] {strides = array<i32>} : memref<10240xf32, #tpu.memory_space<vmem>>, vector<16xf32>,
      tpu.vector_store %arg6[%swap3A_56], %broadcast_in_dim3A_8 {strides = array<i32>} : memref<10240xf32, #tpu.memory_space<vmem>>, vector<16xf32>,
      %scan3A_58 = arith.constant 5 : i32
      %scan3A_59 = arith.addi %scan3A_30, %scan3A_58 : i32
      %mul3A_60 = arith.constant 16 : i32
      %mul3A_61 = arith.muli %scan3A_59, %mul3A_60 : i32
      %swap3A_62 = arith.index_cast %mul3A_61 : i32 to index
      %swap3A_63 = tpu.vector_load %arg6[%swap3A_62] {strides = array<i32>} : memref<10240xf32, #tpu.memory_space<vmem>>, vector<16xf32>,
      tpu.vector_store %arg6[%swap3A_62], %broadcast_in_dim3A_8 {strides = array<i32>} : memref<10240xf32, #tpu.memory_space<vmem>>, vector<16xf32>,
      %scan3A_64 = arith.constant 6 : i32
      %scan3A_65 = arith.addi %scan3A_30, %scan3A_64 : i32
      %mul3A_66 = arith.constant 16 : i32
      %mul3A_67 = arith.muli %scan3A_65, %mul3A_66 : i32
      %swap3A_68 = arith.index_cast %mul3A_67 : i32 to index
      %swap3A_69 = tpu.vector_load %arg6[%swap3A_68] {strides = array<i32>} : memref<10240xf32, #tpu.memory_space<vmem>>, vector<16xf32>,
      tpu.vector_store %arg6[%swap3A_68], %broadcast_in_dim3A_8 {strides = array<i32>} : memref<10240xf32, #tpu.memory_space<vmem>>, vector<16xf32>,
      %scan3A_70 = arith.constant 7 : i32
      %scan3A_71 = arith.addi %scan3A_30, %scan3A_70 : i32
      %mul3A_72 = arith.constant 16 : i32
      %mul3A_73 = arith.muli %scan3A_71, %mul3A_72 : i32
      %swap3A_74 = arith.index_cast %mul3A_73 : i32 to index
      %swap3A_75 = tpu.vector_load %arg6[%swap3A_74] {strides = array<i32>} : memref<10240xf32, #tpu.memory_space<vmem>>, vector<16xf32>,
      tpu.vector_store %arg6[%swap3A_74], %broadcast_in_dim3A_8 {strides = array<i32>} : memref<10240xf32, #tpu.memory_space<vmem>>, vector<16xf32>,
    }
    %scan3A_13 = arith.constant 640 : i32
    %dma_wait3A = arith.constant 0 : i32
    %dma_wait3A_14 = tpu.memref_slice %arg2[%dma_wait3A, %mul3A_2] : memref<2x320000xi32, #tpu.memory_space<hbm>> -> memref<2x9984xi32, #tpu.memory_space<hbm>>
    %dma_wait3A_15 = arith.constant 0 : i32
    %dma_wait3A_16 = tpu.memref_slice %arg2[%dma_wait3A_15, %mul3A_2] : memref<2x320000xi32, #tpu.memory_space<hbm>> -> memref<2x9984xi32, #tpu.memory_space<hbm>>
    tpu.wait_dma2 semaphore(%arg7 : memref<!tpu.dma_semaphore, #tpu.memory_space<semaphore_mem>>) src(%dma_wait3A_16 : memref<2x9984xi32, #tpu.memory_space<hbm>>) dst(%arg4 : memref<2x9984xi32, #tpu.memory_space<vmem>>)
    %broadcast_in_dim3A_17 = arith.constant 1.000000e+00 : f32
    %broadcast_in_dim3A_18 = vector.broadcast %broadcast_in_dim3A_17 : f32 to vector<16xf32>
    %scan3A_19 = arith.constant 0 : i32
    %scan3A_20 = arith.constant 0 : i32
    %scan3A_21 = arith.constant 624 : i32
    %scan3A_22 = arith.addi %scan3A_20, %scan3A_21 : i32
    %scan3A_23 = arith.constant 4 : i32
    scf.for %scan3A_30 = %scan3A_20 to %scan3A_22 step %scan3A_23  : i32 {
      %mul3A_31 = arith.constant 16 : i32
      %mul3A_32 = arith.muli %scan3A_30, %mul3A_31 : i32
      %get3A = arith.constant 0 : i32
      %get3A_33 = arith.index_cast %get3A : i32 to index
      %get3A_34 = arith.index_cast %mul3A_32 : i32 to index
      %get3A_35 = tpu.vector_load %arg4[%get3A_33, %get3A_34] {strides = array<i32>} : memref<2x9984xi32, #tpu.memory_space<vmem>>, vector<16xi32>,
      tpu.vector_store_idx %arg6[%get3A_35], %broadcast_in_dim3A_18 {add = true} : memref<10240xf32, #tpu.memory_space<vmem>>[vector<16xi32>], vector<16xf32>,
      %scan3A_36 = arith.constant 1 : i32
      %scan3A_37 = arith.addi %scan3A_30, %scan3A_36 : i32
      %mul3A_38 = arith.constant 16 : i32
      %mul3A_39 = arith.muli %scan3A_37, %mul3A_38 : i32
      %get3A_40 = arith.constant 0 : i32
      %get3A_41 = arith.index_cast %get3A_40 : i32 to index
      %get3A_42 = arith.index_cast %mul3A_39 : i32 to index
      %get3A_43 = tpu.vector_load %arg4[%get3A_41, %get3A_42] {strides = array<i32>} : memref<2x9984xi32, #tpu.memory_space<vmem>>, vector<16xi32>,
      tpu.vector_store_idx %arg6[%get3A_43], %broadcast_in_dim3A_18 {add = true} : memref<10240xf32, #tpu.memory_space<vmem>>[vector<16xi32>], vector<16xf32>,
      %scan3A_44 = arith.constant 2 : i32
      %scan3A_45 = arith.addi %scan3A_30, %scan3A_44 : i32
      %mul3A_46 = arith.constant 16 : i32
      %mul3A_47 = arith.muli %scan3A_45, %mul3A_46 : i32
      %get3A_48 = arith.constant 0 : i32
      %get3A_49 = arith.index_cast %get3A_48 : i32 to index
      %get3A_50 = arith.index_cast %mul3A_47 : i32 to index
      %get3A_51 = tpu.vector_load %arg4[%get3A_49, %get3A_50] {strides = array<i32>} : memref<2x9984xi32, #tpu.memory_space<vmem>>, vector<16xi32>,
      tpu.vector_store_idx %arg6[%get3A_51], %broadcast_in_dim3A_18 {add = true} : memref<10240xf32, #tpu.memory_space<vmem>>[vector<16xi32>], vector<16xf32>,
      %scan3A_52 = arith.constant 3 : i32
      %scan3A_53 = arith.addi %scan3A_30, %scan3A_52 : i32
      %mul3A_54 = arith.constant 16 : i32
      %mul3A_55 = arith.muli %scan3A_53, %mul3A_54 : i32
      %get3A_56 = arith.constant 0 : i32
      %get3A_57 = arith.index_cast %get3A_56 : i32 to index
      %get3A_58 = arith.index_cast %mul3A_55 : i32 to index
      %get3A_59 = tpu.vector_load %arg4[%get3A_57, %get3A_58] {strides = array<i32>} : memref<2x9984xi32, #tpu.memory_space<vmem>>, vector<16xi32>,
      tpu.vector_store_idx %arg6[%get3A_59], %broadcast_in_dim3A_18 {add = true} : memref<10240xf32, #tpu.memory_space<vmem>>[vector<16xi32>], vector<16xf32>,
    }
    %scan3A_24 = arith.constant 624 : i32
    %eq3A_25 = arith.constant 31 : i32
    %eq3A_26 = arith.cmpi eq, %add3A, %eq3A_25 : i32
    %convert_element_type3A_27 = arith.extui %eq3A_26 : i1 to i32
    %cond3A_28 = arith.constant 0 : i32
    %cond3A_29 = arith.cmpi ne, %convert_element_type3A_27, %cond3A_28 : i32
    scf.if %cond3A_29 {
      %dma_wait3A_30 = arith.constant 0 : i32
      %dma_wait3A_31 = arith.constant 319488 : i32
      %dma_wait3A_32 = tpu.memref_slice %arg2[%dma_wait3A_30, %dma_wait3A_31] : memref<2x320000xi32, #tpu.memory_space<hbm>> -> memref<2x512xi32, #tpu.memory_space<hbm>>
      %dma_wait3A_33 = arith.constant 0 : i32
      %dma_wait3A_34 = arith.constant 319488 : i32
      %dma_wait3A_35 = tpu.memref_slice %arg2[%dma_wait3A_33, %dma_wait3A_34] : memref<2x320000xi32, #tpu.memory_space<hbm>> -> memref<2x512xi32, #tpu.memory_space<hbm>>
      tpu.wait_dma2 semaphore(%arg7 : memref<!tpu.dma_semaphore, #tpu.memory_space<semaphore_mem>>) src(%dma_wait3A_35 : memref<2x512xi32, #tpu.memory_space<hbm>>) dst(%arg5 : memref<2x512xi32, #tpu.memory_space<vmem>>)
      %scan3A_36 = arith.constant 0 : i32
      %scan3A_37 = arith.constant 0 : i32
      %scan3A_38 = arith.constant 32 : i32
      %scan3A_39 = arith.addi %scan3A_37, %scan3A_38 : i32
      %scan3A_40 = arith.constant 4 : i32
      scf.for %scan3A_42 = %scan3A_37 to %scan3A_39 step %scan3A_40  : i32 {
        %mul3A_43 = arith.constant 16 : i32
        %mul3A_44 = arith.muli %scan3A_42, %mul3A_43 : i32
        %get3A = arith.constant 0 : i32
        %get3A_45 = arith.index_cast %get3A : i32 to index
        %get3A_46 = arith.index_cast %mul3A_44 : i32 to index
        %get3A_47 = tpu.vector_load %arg5[%get3A_45, %get3A_46] {strides = array<i32>} : memref<2x512xi32, #tpu.memory_space<vmem>>, vector<16xi32>,
        tpu.vector_store_idx %arg6[%get3A_47], %broadcast_in_dim3A_18 {add = true} : memref<10240xf32, #tpu.memory_space<vmem>>[vector<16xi32>], vector<16xf32>,
        %scan3A_48 = arith.constant 1 : i32
        %scan3A_49 = arith.addi %scan3A_42, %scan3A_48 : i32
        %mul3A_50 = arith.constant 16 : i32
        %mul3A_51 = arith.muli %scan3A_49, %mul3A_50 : i32
        %get3A_52 = arith.constant 0 : i32
        %get3A_53 = arith.index_cast %get3A_52 : i32 to index
        %get3A_54 = arith.index_cast %mul3A_51 : i32 to index
        %get3A_55 = tpu.vector_load %arg5[%get3A_53, %get3A_54] {strides = array<i32>} : memref<2x512xi32, #tpu.memory_space<vmem>>, vector<16xi32>,
        tpu.vector_store_idx %arg6[%get3A_55], %broadcast_in_dim3A_18 {add = true} : memref<10240xf32, #tpu.memory_space<vmem>>[vector<16xi32>], vector<16xf32>,
        %scan3A_56 = arith.constant 2 : i32
        %scan3A_57 = arith.addi %scan3A_42, %scan3A_56 : i32
        %mul3A_58 = arith.constant 16 : i32
        %mul3A_59 = arith.muli %scan3A_57, %mul3A_58 : i32
        %get3A_60 = arith.constant 0 : i32
        %get3A_61 = arith.index_cast %get3A_60 : i32 to index
        %get3A_62 = arith.index_cast %mul3A_59 : i32 to index
        %get3A_63 = tpu.vector_load %arg5[%get3A_61, %get3A_62] {strides = array<i32>} : memref<2x512xi32, #tpu.memory_space<vmem>>, vector<16xi32>,
        tpu.vector_store_idx %arg6[%get3A_63], %broadcast_in_dim3A_18 {add = true} : memref<10240xf32, #tpu.memory_space<vmem>>[vector<16xi32>], vector<16xf32>,
        %scan3A_64 = arith.constant 3 : i32
        %scan3A_65 = arith.addi %scan3A_42, %scan3A_64 : i32
        %mul3A_66 = arith.constant 16 : i32
        %mul3A_67 = arith.muli %scan3A_65, %mul3A_66 : i32
        %get3A_68 = arith.constant 0 : i32
        %get3A_69 = arith.index_cast %get3A_68 : i32 to index
        %get3A_70 = arith.index_cast %mul3A_67 : i32 to index
        %get3A_71 = tpu.vector_load %arg5[%get3A_69, %get3A_70] {strides = array<i32>} : memref<2x512xi32, #tpu.memory_space<vmem>>, vector<16xi32>,
        tpu.vector_store_idx %arg6[%get3A_71], %broadcast_in_dim3A_18 {add = true} : memref<10240xf32, #tpu.memory_space<vmem>>[vector<16xi32>], vector<16xf32>,
      }
      %scan3A_41 = arith.constant 32 : i32
    } else {
    }
    "tpu.region"() ({
      %run_scoped3A = tpu.sem_alloc : memref<!tpu.dma_semaphore, #tpu.memory_space<semaphore_mem>>
      %dma_start3A_30 = arith.constant 0 : i32
      %dma_start3A_31 = tpu.memref_slice %arg3[%add3A, %dma_start3A_30] : memref<32x10240xf32, #tpu.memory_space<hbm>> -> memref<1x10240xf32, #tpu.memory_space<hbm>>
      %dma_start3A_32 = tpu.memref_squeeze %dma_start3A_31 : memref<1x10240xf32, #tpu.memory_space<hbm>> -> memref<10240xf32, #tpu.memory_space<hbm>>
      %dma_start3A_33 = arith.constant 0 : i32
      %dma_start3A_34 = tpu.memref_slice %arg3[%add3A, %dma_start3A_33] : memref<32x10240xf32, #tpu.memory_space<hbm>> -> memref<1x10240xf32, #tpu.memory_space<hbm>>
      %dma_start3A_35 = tpu.memref_squeeze %dma_start3A_34 : memref<1x10240xf32, #tpu.memory_space<hbm>> -> memref<10240xf32, #tpu.memory_space<hbm>>
      tpu.enqueue_dma source(%arg6 : memref<10240xf32, #tpu.memory_space<vmem>>) target(%dma_start3A_35 : memref<10240xf32, #tpu.memory_space<hbm>>) target_semaphore(%run_scoped3A : memref<!tpu.dma_semaphore, #tpu.memory_space<semaphore_mem>>)
      %dma_wait3A_36 = arith.constant 0 : i32
      %dma_wait3A_37 = tpu.memref_slice %arg3[%add3A, %dma_wait3A_36] : memref<32x10240xf32, #tpu.memory_space<hbm>> -> memref<1x10240xf32, #tpu.memory_space<hbm>>
      %dma_wait3A_38 = tpu.memref_squeeze %dma_wait3A_37 : memref<1x10240xf32, #tpu.memory_space<hbm>> -> memref<10240xf32, #tpu.memory_space<hbm>>
      %dma_wait3A_39 = arith.constant 0 : i32
      %dma_wait3A_40 = tpu.memref_slice %arg3[%add3A, %dma_wait3A_39] : memref<32x10240xf32, #tpu.memory_space<hbm>> -> memref<1x10240xf32, #tpu.memory_space<hbm>>
      %dma_wait3A_41 = tpu.memref_squeeze %dma_wait3A_40 : memref<1x10240xf32, #tpu.memory_space<hbm>> -> memref<10240xf32, #tpu.memory_space<hbm>>
      tpu.wait_dma2 semaphore(%run_scoped3A : memref<!tpu.dma_semaphore, #tpu.memory_space<semaphore_mem>>) src(%arg6 : memref<10240xf32, #tpu.memory_space<vmem>>) dst(%dma_wait3A_41 : memref<10240xf32, #tpu.memory_space<hbm>>)
      tpu.yield
    }) : () -> ()
    return
  }
}

module attributes {stable_mosaic.version = 14 : i64} {
  func.func @_enc_a_body(%arg0: i32, %arg1: memref<2000x128xf32, #tpu.memory_space<vmem>>, %arg2: memref<128x128xf32, #tpu.memory_space<vmem>>, %arg3: memref<1x128xf32, #tpu.memory_space<vmem>>, %arg4: memref<2000x128xbf16, #tpu.memory_space<vmem>>, %arg5: memref<1x128xf32, #tpu.memory_space<vmem>>, %arg6: memref<1x128xf32, #tpu.memory_space<vmem>>) attributes {dimension_semantics = [#tpu.dimension_semantics<arbitrary>], iteration_bounds = array<i64: 5>, scalar_prefetch = 0 : i64, scratch_operands = 1 : i64, tpu.core_type = #tpu.core_type<tc>, window_params = [{transform_indices = @transform_0, window_bounds = array<i64: 2000, 128>}, {pipeline_mode = #tpu.pipeline_mode<synchronous>, transform_indices = @transform_1, window_bounds = array<i64: 128, 128>}, {pipeline_mode = #tpu.pipeline_mode<synchronous>, transform_indices = @transform_2, window_bounds = array<i64: 1, 128>}, {transform_indices = @transform_3, window_bounds = array<i64: 2000, 128>}, {pipeline_mode = #tpu.pipeline_mode<synchronous>, transform_indices = @transform_4, window_bounds = array<i64: 1, 128>}]} {
    %eq3A = arith.constant 0 : i32
    %eq3A_0 = arith.cmpi eq, %arg0, %eq3A : i32
    %convert_element_type3A = arith.extui %eq3A_0 : i1 to i32
    %cond3A = arith.constant 0 : i32
    %cond3A_1 = arith.cmpi ne, %convert_element_type3A, %cond3A : i32
    scf.if %cond3A_1 {
      %broadcast_in_dim3A_30 = arith.constant 0.000000e+00 : f32
      %broadcast_in_dim3A_31 = vector.broadcast %broadcast_in_dim3A_30 : f32 to vector<1x128xf32>
      %swap3A_32 = arith.constant 0 : index
      %swap3A_33 = arith.constant 0 : index
      %swap3A_34 = vector.load %arg6[%swap3A_32, %swap3A_33] : memref<1x128xf32, #tpu.memory_space<vmem>>, vector<1x128xf32>
      tpu.vector_store %arg6[%swap3A_32, %swap3A_33], %broadcast_in_dim3A_31 {strides = array<i32>} : memref<1x128xf32, #tpu.memory_space<vmem>>, vector<1x128xf32>,
    } else {
    }
    %get3A = arith.constant 0 : index
    %get3A_2 = arith.constant 0 : index
    %get3A_3 = vector.load %arg1[%get3A, %get3A_2] : memref<2000x128xf32, #tpu.memory_space<vmem>>, vector<2000x128xf32>
    %get3A_4 = arith.constant 0 : index
    %get3A_5 = arith.constant 0 : index
    %get3A_6 = vector.load %arg2[%get3A_4, %get3A_5] : memref<128x128xf32, #tpu.memory_space<vmem>>, vector<128x128xf32>
    %dot_general3A = arith.constant dense<0.000000e+00> : vector<2000x128xf32>
    %dot_general3A_7 = tpu.matmul %get3A_3, %get3A_6, %dot_general3A {dimension_numbers = #tpu.dot_dimension_numbers<[1], [0], [0], [1], [0, 0, 1, 1], [], []>, transpose_lhs_hint = false} : vector<2000x128xf32>, vector<128x128xf32>, vector<2000x128xf32> -> vector<2000x128xf32>
    %get3A_8 = arith.constant 0 : index
    %get3A_9 = arith.constant 0 : index
    %get3A_10 = vector.load %arg3[%get3A_8, %get3A_9] : memref<1x128xf32, #tpu.memory_space<vmem>>, vector<1x128xf32>
    %add3A = vector.broadcast %get3A_10 : vector<1x128xf32> to vector<2000x128xf32>
    %add3A_11 = arith.addf %dot_general3A_7, %add3A : vector<2000x128xf32>
    %max3A = arith.constant 0.000000e+00 : f32
    %max3A_12 = vector.broadcast %max3A : f32 to vector<2000x128xf32>
    %max3A_13 = arith.maximumf %add3A_11, %max3A_12 : vector<2000x128xf32>
    %convert_element_type3A_14 = arith.truncf %max3A_13 : vector<2000x128xf32> to vector<2000x128xbf16>
    %swap3A = arith.constant 0 : index
    %swap3A_15 = arith.constant 0 : index
    %swap3A_16 = vector.load %arg4[%swap3A, %swap3A_15] : memref<2000x128xbf16, #tpu.memory_space<vmem>>, vector<2000x128xbf16>
    tpu.vector_store %arg4[%swap3A, %swap3A_15], %convert_element_type3A_14 {strides = array<i32>} : memref<2000x128xbf16, #tpu.memory_space<vmem>>, vector<2000x128xbf16>,
    %get3A_17 = arith.constant 0 : index
    %get3A_18 = arith.constant 0 : index
    %get3A_19 = vector.load %arg6[%get3A_17, %get3A_18] : memref<1x128xf32, #tpu.memory_space<vmem>>, vector<1x128xf32>
    %reduce_sum3A = arith.constant dense<0.000000e+00> : vector<128xf32>
    %reduce_sum3A_20 = vector.multi_reduction <add>, %max3A_13, %reduce_sum3A [0] : vector<2000x128xf32> to vector<128xf32>
    %broadcast_in_dim3A = vector.shape_cast %reduce_sum3A_20 : vector<128xf32> to vector<1x128xf32>
    %add3A_21 = arith.addf %get3A_19, %broadcast_in_dim3A : vector<1x128xf32>
    %swap3A_22 = arith.constant 0 : index
    %swap3A_23 = arith.constant 0 : index
    %swap3A_24 = vector.load %arg6[%swap3A_22, %swap3A_23] : memref<1x128xf32, #tpu.memory_space<vmem>>, vector<1x128xf32>
    tpu.vector_store %arg6[%swap3A_22, %swap3A_23], %add3A_21 {strides = array<i32>} : memref<1x128xf32, #tpu.memory_space<vmem>>, vector<1x128xf32>,
    %eq3A_25 = arith.constant 4 : i32
    %eq3A_26 = arith.cmpi eq, %arg0, %eq3A_25 : i32
    %convert_element_type3A_27 = arith.extui %eq3A_26 : i1 to i32
    %cond3A_28 = arith.constant 0 : i32
    %cond3A_29 = arith.cmpi ne, %convert_element_type3A_27, %cond3A_28 : i32
    scf.if %cond3A_29 {
      %get3A_30 = arith.constant 0 : index
      %get3A_31 = arith.constant 0 : index
      %get3A_32 = vector.load %arg6[%get3A_30, %get3A_31] : memref<1x128xf32, #tpu.memory_space<vmem>>, vector<1x128xf32>
      %swap3A_33 = arith.constant 0 : index
      %swap3A_34 = arith.constant 0 : index
      %swap3A_35 = vector.load %arg5[%swap3A_33, %swap3A_34] : memref<1x128xf32, #tpu.memory_space<vmem>>, vector<1x128xf32>
      tpu.vector_store %arg5[%swap3A_33, %swap3A_34], %get3A_32 {strides = array<i32>} : memref<1x128xf32, #tpu.memory_space<vmem>>, vector<1x128xf32>,
    } else {
    }
    return
  }
  func.func @transform_0(%arg0: i32) -> (i32, i32) {
    %c0_i32 = arith.constant 0 : i32
    %c0_i32_0 = arith.constant 0 : i32
    return %arg0, %c0_i32 : i32, i32
  }
  func.func @transform_1(%arg0: i32) -> (i32, i32) {
    %c0_i32 = arith.constant 0 : i32
    %c0_i32_0 = arith.constant 0 : i32
    %c0_i32_1 = arith.constant 0 : i32
    return %c0_i32, %c0_i32_0 : i32, i32
  }
  func.func @transform_2(%arg0: i32) -> (i32, i32) {
    %c0_i32 = arith.constant 0 : i32
    %c0_i32_0 = arith.constant 0 : i32
    %c0_i32_1 = arith.constant 0 : i32
    return %c0_i32, %c0_i32_0 : i32, i32
  }
  func.func @transform_3(%arg0: i32) -> (i32, i32) {
    %c0_i32 = arith.constant 0 : i32
    %c0_i32_0 = arith.constant 0 : i32
    return %arg0, %c0_i32 : i32, i32
  }
  func.func @transform_4(%arg0: i32) -> (i32, i32) {
    %c0_i32 = arith.constant 0 : i32
    %c0_i32_0 = arith.constant 0 : i32
    %c0_i32_1 = arith.constant 0 : i32
    return %c0_i32, %c0_i32_0 : i32, i32
  }
}

module attributes {stable_mosaic.version = 14 : i64} {
  func.func @_enc_b_body(%arg0: memref<32x10240xf32, #tpu.memory_space<vmem>>, %arg1: memref<10000x128xbf16, #tpu.memory_space<vmem>>, %arg2: memref<1x128xf32, #tpu.memory_space<vmem>>, %arg3: memref<128x128xf32, #tpu.memory_space<vmem>>, %arg4: memref<1x128xf32, #tpu.memory_space<vmem>>, %arg5: memref<128x16xf32, #tpu.memory_space<vmem>>, %arg6: memref<1x16xf32, #tpu.memory_space<vmem>>, %arg7: memref<1x16xf32, #tpu.memory_space<vmem>>) attributes {dimension_semantics = [], scalar_prefetch = 0 : i64, scratch_operands = 0 : i64, tpu.core_type = #tpu.core_type<tc>} {
    %get3A = arith.constant 0 : index
    %get3A_0 = arith.constant 0 : index
    %get3A_1 = vector.load %arg0[%get3A, %get3A_0] : memref<32x10240xf32, #tpu.memory_space<vmem>>, vector<32x10240xf32>
    %reduce_sum3A = arith.constant dense<0.000000e+00> : vector<10240xf32>
    %reduce_sum3A_2 = vector.multi_reduction <add>, %get3A_1, %reduce_sum3A [0] : vector<32x10240xf32> to vector<10240xf32>
    %broadcast_in_dim3A = vector.shape_cast %reduce_sum3A_2 : vector<10240xf32> to vector<1x10240xf32>
    %slice3A = vector.extract_strided_slice %broadcast_in_dim3A {offsets = [0, 0], sizes = [1, 10000], strides = [1, 1]} : vector<1x10240xf32> to vector<1x10000xf32>
    %convert_element_type3A = arith.truncf %slice3A : vector<1x10000xf32> to vector<1x10000xbf16>
    %get3A_3 = arith.constant 0 : index
    %get3A_4 = arith.constant 0 : index
    %get3A_5 = vector.load %arg1[%get3A_3, %get3A_4] : memref<10000x128xbf16, #tpu.memory_space<vmem>>, vector<10000x128xbf16>
    %dot_general3A = arith.constant dense<0.000000e+00> : vector<1x128xf32>
    %dot_general3A_6 = tpu.matmul %convert_element_type3A, %get3A_5, %dot_general3A {dimension_numbers = #tpu.dot_dimension_numbers<[1], [0], [0], [1], [0, 0, 1, 1], [], []>, transpose_lhs_hint = false} : vector<1x10000xbf16>, vector<10000x128xbf16>, vector<1x128xf32> -> vector<1x128xf32>
    %get3A_7 = arith.constant 0 : index
    %get3A_8 = arith.constant 0 : index
    %get3A_9 = vector.load %arg2[%get3A_7, %get3A_8] : memref<1x128xf32, #tpu.memory_space<vmem>>, vector<1x128xf32>
    %add3A = arith.addf %dot_general3A_6, %get3A_9 : vector<1x128xf32>
    %get3A_10 = arith.constant 0 : index
    %get3A_11 = arith.constant 0 : index
    %get3A_12 = vector.load %arg3[%get3A_10, %get3A_11] : memref<128x128xf32, #tpu.memory_space<vmem>>, vector<128x128xf32>
    %dot_general3A_13 = arith.constant dense<0.000000e+00> : vector<1x128xf32>
    %dot_general3A_14 = tpu.matmul %add3A, %get3A_12, %dot_general3A_13 {dimension_numbers = #tpu.dot_dimension_numbers<[1], [0], [0], [1], [0, 0, 1, 1], [], []>, transpose_lhs_hint = false} : vector<1x128xf32>, vector<128x128xf32>, vector<1x128xf32> -> vector<1x128xf32>
    %get3A_15 = arith.constant 0 : index
    %get3A_16 = arith.constant 0 : index
    %get3A_17 = vector.load %arg4[%get3A_15, %get3A_16] : memref<1x128xf32, #tpu.memory_space<vmem>>, vector<1x128xf32>
    %mul3A = arith.constant 3.300000e+05 : f32
    %mul3A_18 = vector.broadcast %mul3A : f32 to vector<1x128xf32>
    %mul3A_19 = arith.mulf %mul3A_18, %get3A_17 : vector<1x128xf32>
    %add3A_20 = arith.addf %dot_general3A_14, %mul3A_19 : vector<1x128xf32>
    %mul3A_21 = arith.constant 9.99999974E-5 : f32
    %mul3A_22 = vector.broadcast %mul3A_21 : f32 to vector<1x128xf32>
    %mul3A_23 = arith.mulf %add3A_20, %mul3A_22 : vector<1x128xf32>
    %get3A_24 = arith.constant 0 : index
    %get3A_25 = arith.constant 0 : index
    %get3A_26 = vector.load %arg5[%get3A_24, %get3A_25] : memref<128x16xf32, #tpu.memory_space<vmem>>, vector<128x16xf32>
    %dot_general3A_27 = arith.constant dense<0.000000e+00> : vector<1x16xf32>
    %dot_general3A_28 = tpu.matmul %mul3A_23, %get3A_26, %dot_general3A_27 {dimension_numbers = #tpu.dot_dimension_numbers<[1], [0], [0], [1], [0, 0, 1, 1], [], []>, transpose_lhs_hint = false} : vector<1x128xf32>, vector<128x16xf32>, vector<1x16xf32> -> vector<1x16xf32>
    %get3A_29 = arith.constant 0 : index
    %get3A_30 = arith.constant 0 : index
    %get3A_31 = vector.load %arg6[%get3A_29, %get3A_30] : memref<1x16xf32, #tpu.memory_space<vmem>>, vector<1x16xf32>
    %add3A_32 = arith.addf %dot_general3A_28, %get3A_31 : vector<1x16xf32>
    %swap3A = arith.constant 0 : index
    %swap3A_33 = arith.constant 0 : index
    %swap3A_34 = vector.load %arg7[%swap3A, %swap3A_33] : memref<1x16xf32, #tpu.memory_space<vmem>>, vector<1x16xf32>
    tpu.vector_store %arg7[%swap3A, %swap3A_33], %add3A_32 {strides = array<i32>} : memref<1x16xf32, #tpu.memory_space<vmem>>, vector<1x16xf32>,
    return
  }
}

</mosaic_0001>

<sc_bundles>
// kernel: kernel.5.cloned.1.call-start
scs
__scs_entry_jumppad:
0x0: {  	(pc) =	sbr.rel $0x88, $3  }
0x1: {  	(tag) =	ssettag $0x0;
	lr =	simm.s32 $0x1  }
0x2: {  	[smem:$0x3F99] =	sst lr;
	_ =	strace $0xD0000000  }
0x3: {  	_ = 	snop  }
0x4: {  	_ = 	snop  }
0x5: {  	_ = 	snop  }
0x6: {  	_ = 	snop  }
0x7: {  	_ = 	snop  }
__scs_overlays_trampoline_lowered:
0x8: {  	[smem:$0x3FA8] =	sst s0  }
0x9: {  	[smem:$0x3FA9] =	sst s1  }
0xa: {  	[smem:$0x3FAA] =	sst s2  }
0xb: {  	[smem:$0x3FAB] =	sst s3  }
0xc: {  	[smem:$0x3FAC] =	sst s4  }
0xd: {  	[smem:$0x3FAD] =	sst s5  }
0xe: {  	[smem:$0x3FAE] =	sst s6  }
0xf: {  	[smem:$0x3FAF] =	sst s7  }
0x10: {  	[smem:$0x3FB0] =	sst s8  }
0x11: {  	[smem:$0x3FB1] =	sst s9;
	s0 =	simm.s32 @!p0 $0x0  }
0x12: {  	s1 =	sld [smem:$0x3F97];
	s0 =	simm.s32 @p0 $0x1  }
0x13: {  	[smem:$0x3FB2] =	sst s0;
	s0 =	simm.s32 @!p1 $0x0  }
0x14: {  	s2 =	sld [smem:$0x3F96];
	s0 =	simm.s32 @p1 $0x1  }
0x15: {  	[smem:$0x3FB3] =	sst s0;
	s0 =	simm.s32 @!p2 $0x0  }
0x16: {  	s3 =	sld [smem:$0x3FDB];
	s0 =	simm.s32 @p2 $0x1  }
0x17: {  	s4 =	simm.s32 $0x1BF5;
	[smem:$0x3FB5] =	sst s0  }
0x18: {  	s0 =	sld [smem:$0x3F98];
	_ =	swait.ge [sflag:s4], $0x0  }
0x19: {  	s7 =	sld [smem:$0x3F99]  }
0x1a: {  	s8 =	sadd.s32 $0xFFFFE003, lr  }
0x1b: {  	s9 =	sadd.s32 $0xFFFFFEF7, lr;
	s5 =	simm.s32 $0xFFFFFFFF;
	p2 =	slt.u32 s8, $0xFFFFF086  }
0x1c: {  	p1 =	slt.u32 s9, $0xF7A;
	s5 =	simm.s32 @!p2 $0x0  }
0x1d: {  	s5 =	simm.s32 @p1 $0x1;
	p0 =	seq.s32 s7, s2  }
0x1e: {  	s7 =	smul.u32 @!p0 $0xF7A, s2;
	p2 =	seq.s32 @!p0 s5, $0x0  }
0x1f: {  	s9 =	smul.u32 $0xF7A, s1;
	s8 =	simm.s32 @!p0 $0x1BF5;
	p2 =	por !p2, p0  }
0x20: {  	[sflag:s8] =	ssyncset.s32 @!p0 $0xFFFFF086;
	s6 =	sadd.s32 @!p0 s3, s7;
	s7 =	simm.s32 @!p0 $0x108  }
0x21: {  	s3 =	sadd.s32 s3, s9;
	s6 =	sadd.s32 @!p0 $0x88, s6;
	s7 =	simm.s32 @p2 $0x1082  }
0x22: {  	[simem:s7], [sflag:s8] =	dma.local @!p0 [hbm:s6], $0xF7A  }
0x23: {  	s9 =	sor.u32 $0xD0000000, s2;
	s6 =	simm.s32 $0x108;
	_ =	swait.ge @!p0 [sflag:s8], $0x0  }
0x24: {  	s3 =	sadd.s32 $0x88, s3;
	s6 =	simm.s32 @!p1 $0x1082;
	[sflag:s4] =	ssyncset.s32 $0xFFFFF086  }
0x25: {  	[simem:s6], [sflag:s4] =	dma.local [hbm:s3], $0xF7A  }
0x26: {  	[smem:$0x3F99] =	sst s1;
	(tag) =	ssettag s2;
	_ =	strace s9  }
0x27: {  	s1 =	sld [smem:$0x3FA9]  }
0x28: {  	s2 =	sld [smem:$0x3FAA]  }
0x29: {  	s4 =	sld [smem:$0x3FAC]  }
0x2a: {  	p0 =	seq.s32 s5, $0x0;
	s5 =	sld [smem:$0x3FAD]  }
0x2b: {  	s6 =	sld [smem:$0x3FAE]  }
0x2c: {  	s7 =	sld [smem:$0x3FAF]  }
0x2d: {  	s3 =	simm.s32 $0x108;
	s8 =	sld [smem:$0x3FB0]  }
0x2e: {  	s3 =	simm.s32 @!p0 $0x1082;
	s9 =	sld [smem:$0x3FB1]  }
0x2f: {  	lr =	sadd.s32 s0, s3;
	s0 =	sld [smem:$0x3FA8]  }
0x30: {  	s3 =	sld [smem:$0x3FAB]  }
0x31: {  	[smem:$0x3FB4] =	sst s10  }
0x32: {  	s10 =	sld [smem:$0x3FB2];
	_ =	sdelay $0x3  }
0x33: {  	p0 =	seq.s32 s10, $0x1;
	s10 =	sld [smem:$0x3FB4];
	_ =	sdelay $0x3  }
0x34: {  	[smem:$0x3FB4] =	sst s10  }
0x35: {  	s10 =	sld [smem:$0x3FB3];
	_ =	sdelay $0x3  }
0x36: {  	p1 =	seq.s32 s10, $0x1;
	s10 =	sld [smem:$0x3FB4];
	_ =	sdelay $0x3  }
0x37: {  	[smem:$0x3FB4] =	sst s10  }
0x38: {  	s10 =	sld [smem:$0x3FB5]  }
0x39: {  	_ = 	snop;
	(pc) =	sbr.ind lr, $3  }
0x3a: {  	_ = 	snop  }
0x3b: {  	_ = 	snop  }
0x3c: {  	p2 =	seq.s32 s10, $0x1;
	s10 =	sld [smem:$0x3FB4]  }
0x3d: {  	_ =	shalt  }
0x3e: {  	_ =	shalt  }
0x3f: {  	_ =	shalt  }
0x40: {  	_ =	shalt  }
0x41: {  	_ =	shalt  }
0x42: {  	_ =	shalt  }
0x43: {  	_ =	shalt  }
0x44: {  	_ =	shalt  }
0x45: {  	_ =	shalt  }
0x46: {  	_ =	shalt  }
0x47: {  	_ =	shalt  }
0x48: {  	_ =	shalt  }
0x49: {  	_ =	shalt  }
0x4a: {  	_ =	shalt  }
0x4b: {  	_ =	shalt  }
0x4c: {  	_ =	shalt  }
0x4d: {  	_ =	shalt  }
0x4e: {  	_ =	shalt  }
0x4f: {  	_ =	shalt  }
0x50: {  	_ =	shalt  }
0x51: {  	_ =	shalt  }
0x52: {  	_ =	shalt  }
0x53: {  	_ =	shalt  }
0x54: {  	_ =	shalt  }
0x55: {  	_ =	shalt  }
0x56: {  	_ =	shalt  }
0x57: {  	_ =	shalt  }
0x58: {  	_ =	shalt  }
0x59: {  	_ =	shalt  }
0x5a: {  	_ =	shalt  }
0x5b: {  	_ =	shalt  }
0x5c: {  	_ =	shalt  }
0x5d: {  	_ =	shalt  }
0x5e: {  	_ =	shalt  }
0x5f: {  	_ =	shalt  }
0x60: {  	_ =	shalt  }
0x61: {  	_ =	shalt  }
0x62: {  	_ =	shalt  }
0x63: {  	_ =	shalt  }
0x64: {  	_ =	shalt  }
0x65: {  	_ =	shalt  }
0x66: {  	_ =	shalt  }
0x67: {  	_ =	shalt  }
0x68: {  	_ =	shalt  }
0x69: {  	_ =	shalt  }
0x6a: {  	_ =	shalt  }
0x6b: {  	_ =	shalt  }
0x6c: {  	_ =	shalt  }
0x6d: {  	_ =	shalt  }
0x6e: {  	_ =	shalt  }
0x6f: {  	_ =	shalt  }
0x70: {  	_ =	shalt  }
0x71: {  	_ =	shalt  }
0x72: {  	_ =	shalt  }
0x73: {  	_ =	shalt  }
0x74: {  	_ =	shalt  }
0x75: {  	_ =	shalt  }
0x76: {  	_ =	shalt  }
0x77: {  	_ =	shalt  }
0x78: {  	_ =	shalt  }
0x79: {  	_ =	shalt  }
0x7a: {  	_ =	shalt  }
0x7b: {  	_ =	shalt  }
0x7c: {  	_ =	shalt  }
0x7d: {  	_ =	shalt  }
0x7e: {  	_ =	shalt  }
0x7f: {  	_ =	shalt  }
0x80: {  	_ =	shalt  }
0x81: {  	_ =	shalt  }
0x82: {  	_ =	shalt  }
0x83: {  	_ =	shalt  }
0x84: {  	_ =	shalt  }
0x85: {  	_ =	shalt  }
0x86: {  	_ =	shalt  }
0x87: {  	_ =	shalt  }
.Lfunc_end0:
.L_simem_size_0:
called_computation_lowered:
.L_overlay_start_0:
0x88: {  	s2 =	sld [smem:$0x3FD9]  }
0x89: {  	s3 =	sld [smem:$0x3FFE];
	_ =	sdelay $0x1  }
0x8a: {  	s1 =	srdreg.scid  }
0x8b: {  	s0 =	sand.u32 $0x1, s1  }
0x8c: {  	s17 =	sshll.u32 s0, $0xA;
	s2 =	sadd.s32 s3, s2  }
0x8d: {  	s2 =	sadd.s32 s2, s17  }
0x8e: {  	[smem:$0x3FC0] =	sst s2  }
0x8f: {  	_ = 	snop  }
0x90: {  	s2 =	sld [smem:$0x3FC8];
	(tm) =	ssettm $0x1  }
0x91: {  	s18 =	sld [smem:$0x3FFB];
	_ =	sdelay $0x3  }
0x92: {  	_ =	strace s18  }
0x93: {  	s3 =	sld [smem:$0x3FFC];
	_ =	sdelay $0x3  }
0x94: {  	_ =	strace s3  }
0x95: {  	s3 =	sld [smem:$0x3FFD];
	_ =	sdelay $0x3  }
0x96: {  	_ =	strace s3  }
0x97: {  	_ =	strace $0x8FFFFFFF  }
0x98: {  	s19 =	sld [smem:$0x3FDB];
	_ =	sdelay $0x1  }
0x99: {  	s4 =	simm.s32 $_scs_section_size  }
0x9a: {  	s5 =	simm.s32 $_size__tile_overlayer_lowered;
	s6 =	simm.s32 $_tile_overlayer_lowered  }
0x9b: {  	s22 =	simm.s32 $0x1BFF;
	s21 =	sshll.u32 s6, $0x1;
	s3 =	sadd.s32 s4, s19  }
0x9c: {  	s7 =	simm.s32 $0x0;
	s20 =	sshll.u32 s5, $0x1;
	s5 =	sadd.s32 s21, s3  }
0x9d: {  	[timem:s7], [sflag:s22] =	dma.local [hbm:s5], s20  }
0x9e: {  	_ =	swait.ge [sflag:s22], s20  }
0x9f: {  	s4 =	ssub.s32 $0x0, s20;
	[sflag:s22] =	ssyncset.done $0x0  }
0xa0: {  	[sflag:s22] =	ssyncadd.s32 s4;
	_ =	sdelay $0x1  }
0xa1: {  	s23 =	simm.s32 $0x1B8B  }
0xa2: {  	_ =	swait.ge [sflag:s23], $0x1  }
0xa3: {  	[sflag:s23] =	ssyncset.done $0x0  }
0xa4: {  	s25 =	simm.s32 $0x1B8E;
	s24 =	sld [smem:$0x3FFE];
	[sflag:s23] =	ssyncadd.s32 $0xFFFFFFFF  }
0xa5: {  	s26 =	simm.s32 $execute0_lowered;
	[smem:$0x3FD2] =	sst s25  }
0xa6: {  	s5 =	sshll.u32 s26, $0x1;
	_ =	strace $0x80000046;
	[dreg:$0x1] =	wrdreg $0xFFFFFFFF  }
0xa7: {  	s28 =	simm.s32 $_size_execute0_lowered;
	s3 =	sadd.s32 s3, s5;
	[dreg:$0x0] =	wrdreg $0x0  }
0xa8: {  	s5 =	sshll.u32 s28, $0x1;
	[dreg:$0x2] =	wrdreg s3  }
0xa9: {  	[dreg:$0x3] =	wrdreg s5  }
0xaa: {  	[dreg:$0x4] =	wrdreg $0xC0  }
0xab: {  	_ =	task [dreg:s7], $0x5FFFF  }
0xac: {  	[dreg:$0x1] =	wrdreg $0xFFFFFFFF  }
0xad: {  	[dreg:$0x0] =	wrdreg $0x60  }
0xae: {  	[dreg:$0x2] =	wrdreg s2  }
0xaf: {  	[dreg:$0x3] =	wrdreg s24  }
0xb0: {  	[dreg:$0x4] =	wrdreg $0x9  }
0xb1: {  	_ =	task.clear_ibuf [dreg:s7], $0x5FFFF;
	_ =	strace $0x90000046  }
0xb2: {  	s29 =	simm.s32 $0x9;
	_ =	strace $0x80000048  }
0xb3: {  	_ =	swait.ge [sflag:s29], $0x1  }
0xb4: {  	[sflag:s29] =	ssyncadd.s32 $0xFFFFFFFF  }
0xb5: {  	_ =	strace $0x90000048  }
0xb6: {  	_ =	sfence  }
0xb7: {  	s30 =	sld [smem:$0x0];
	_ =	sdelay $0x2  }
0xb8: {  	s31 =	sshll.u32 s1, $0xD;
	s1 =	sshrl.u32 s1, $0x2  }
0xb9: {  	s3 =	sand.u32 $0x4000, s31;
	s1 =	sadd.s32 s1, s30  }
0xba: {  	s0 =	sor.u32 s3, s0;
	s1 =	sshll.u32 s1, $0x11  }
0xbb: {  	s0 =	sor.u32 s1, s0  }
0xbc: {  	s0 =	sadd.s32 $0x8F2B, s0  }
0xbd: {  	[sflag:s0] =	ssyncadd.remote.s32 $0x1  }
0xbe: {  	_ =	sfence.sel $0xFFFF  }
0xbf: {  	[dreg:$0x0] =	wrdreg $0xFFFFFFFF;
	(pc) =	sbr.abs _section_cstart, $3  }
0xc0: {  	[dreg:$0x1] =	wrdreg $0xFFFFFFFF  }
0xc1: {  	_ =	task.clear_ibuf [dreg:s7], $0x2FFFF;
	_ =	strace $0x9FFFFFFF  }
0xc2: {  	(tm) =	ssettm $0x7FFFFFFF  }
0xc3: {  	_ =	shalt  }
tec
execute0_lowered:
.L_overlay_start_1:
0x0: {  	(tag) =	ssettag $0x1  }
0x1: {  	s1 =	srdreg.scid;
	s4 =	rddreg [dreg:$0x0]  }
0x2: {  	s0 =	stileid.u32;
	s5 =	rddreg [dreg:$0x1]  }
0x3: {  	s2 =	simm.s32 $0x0;
	s9 =	simm.s32 $0x80;
	s10 =	simm.s32 $0x400  }
0x4: {  	s11 =	simm.s32 $0x2;
	s12 =	simm.s32 $0x0;
	s3 =	sand.u32 $0x1, s1  }
0x5: {  	s28 =	sshll.u32 s0, $0x1;
	s29 =	sshrl.u32 s0, $0x2;
	s1 =	rddreg [dreg:$0x2]  }
0x6: {  	[smem:$0x7FF] =	sst s2;
	s7 =	sor.u32 s3, s28;
	s6 =	smul.u32 $0x14000, s29  }
0x7: {  	s3 =	ssub.s32 $0x2, s3;
	s8 =	sshll.u32 s7, $0x7;
	s30 =	smul.u32 $0x9C0, s7  }
.Ltmp0:
0x8: {  	_ =	strace $0x80000047;
	s8 =	sand.u32 $0x380, s8;
	(pc) =	sbr.rel .LBB2_1-.Ltmp0, $4  }
0x9: {  	s31 =	sshrl.u32 s3, $0x1;
	p0 =	sne.s32 s7, $0x1F;
	s6 =	sor.u32 s6, s8  }
0xa: {  	s7 =	simm.s32 $0x1;
	s8 =	simm.s32 $0x5200;
	s6 =	sshrl.u32 s6, $0x3  }
0xb: {  	s5 =	sadd.s32 s6, s5;
	s6 =	ssub.s32 s3, s31;
	s3 =	sadd.s32 s4, s30  }
0xc: {  	v0 =	vimm.f32 $0.0e+00;
	v1 =	vimm.f32 $1.000000000e+00;
	s4 =	sadd.s32 $0x13800, s4;
	s5 =	sadd.s32 $0x1C00, s5;
	s6 =	smax.u32 s6, $0x1  }
.LBB2_7:
0xd: {  	s12 =	sadd.s32 $0x1, s12  }
0xe: {  	p1 =	sne.s32 s12, s6  }
.Ltmp1:
0xf: {  	_ = 	snop;
	(pc) =	sbr.rel @!p1 .LBB2_8-.Ltmp1, $4  }
0x10: {  	[hbm4b:s5+s9] =	stream.strided.scatter [tilespmem:s8], [sflag:$0x2], $0x2800, s10, s9, $0x38;
	[tilespmem:$0x7A00] =	vst v63  }
0x11: {  	_ =	swait.ge [sflag:s11], $0x2800  }
0x12: {  	[sflag:s11] =	ssyncset.done $0x0  }
0x13: {  	[sflag:s11] =	ssyncadd.s32 $0xFFFFD800  }
.LBB2_1:
0x14: {  	[tilespmem:s2], [sflag:$0x1] =	stream.linear.gather [hbm4b:s3+s2], $0x4E00, $0x38;
	[tilespmem:$0x7A00] =	vst v63  }
0x15: {  	s13 =	simm.s32 @!p0 $0x0;
	s14 =	simm.s32 @!p0 $0x4E00  }
0x16: {  	[tilespmem:s14], [sflag:$0x1] =	stream.linear.gather @!p0 [hbm4b:s4+s13], $0x400, $0x38;
	[tilespmem:$0x7A00] =	vst v63  }
0x17: {  	s13 =	simm.s32 $0x5240  }
0x18: {  	[tilespmem:s13+$0xFFFFFFC0] =	vst v0  }
0x19: {  	[tilespmem:s13+$0x30] =	vst v0  }
0x1a: {  	[tilespmem:s13+$0x20] =	vst v0  }
0x1b: {  	[tilespmem:s13+$0x10] =	vst v0  }
0x1c: {  	[tilespmem:s13+$0x0] =	vst v0  }
0x1d: {  	[tilespmem:s13+$0xFFFFFFF0] =	vst v0  }
0x1e: {  	s14 =	simm.s32 $0x0;
	[tilespmem:s13+$0xFFFFFFE0] =	vst v0  }
.LBB2_2:
0x1f: {  	s14 =	sadd.s32 $0x8, s14;
	[tilespmem:s13+$0xFFFFFFD0] =	vst v0;
	s13 =	sadd.s32 $0x80, s13  }
0x20: {  	[tilespmem:s13+$0xFFFFFFC0] =	vst v0;
	p1 =	slt.u32 s14, $0x278  }
0x21: {  	[tilespmem:s13+$0x30] =	vst v0  }
.Ltmp2:
0x22: {  	[tilespmem:s13+$0x20] =	vst v0;
	(pc) =	sbr.rel @p1 .LBB2_2-.Ltmp2, $4  }
0x23: {  	[tilespmem:s13+$0x10] =	vst v0  }
0x24: {  	[tilespmem:s13+$0x0] =	vst v0  }
0x25: {  	[tilespmem:s13+$0xFFFFFFF0] =	vst v0  }
0x26: {  	[tilespmem:s13+$0xFFFFFFE0] =	vst v0  }
0x27: {  	[tilespmem:s13+$0xFFFFFFD0] =	vst v0  }
0x28: {  	_ =	swait.ge [sflag:s7], $0x4E00  }
0x29: {  	s13 =	simm.s32 $0xFFFFFFFC;
	[sflag:s7] =	ssyncset.done $0x0  }
0x2a: {  	s14 =	simm.s32 $0x0;
	s15 =	simm.s32 $0x0;
	[sflag:s7] =	ssyncadd.s32 $0xFFFFB200  }
.LBB2_4:
0x2b: {  	s16 =	sand.u32 $0x40, s14;
	s17 =	sand.u32 $0x7F00, s15  }
0x2c: {  	s16 =	sor.u32 s16, s17  }
0x2d: {  	v2 =	vld [tilespmem:s16+$0x0];
	_ =	sdelay $0x7  }
0x2e: {  	[tilespmem:v2+s8+$0x0] =	vst.idx.add.f32.msk $0xffff, v1  }
0x2f: {  	v2 =	vld [tilespmem:s16+$0x10];
	_ =	sdelay $0x7  }
0x30: {  	[tilespmem:v2+s8+$0x0] =	vst.idx.add.f32.msk $0xffff, v1  }
0x31: {  	v2 =	vld [tilespmem:s16+$0x20];
	_ =	sdelay $0x7  }
0x32: {  	[tilespmem:v2+s8+$0x0] =	vst.idx.add.f32.msk $0xffff, v1  }
0x33: {  	v2 =	vld [tilespmem:s16+$0x30];
	_ =	sdelay $0x1  }
0x34: {  	s13 =	sadd.s32 $0x4, s13  }
0x35: {  	p1 =	slt.u32 s13, $0x26C  }
.Ltmp3:
0x36: {  	_ = 	snop;
	(pc) =	sbr.rel @p1 .LBB2_4-.Ltmp3, $2  }
0x37: {  	_ =	sdelay $0x2  }
0x38: {  	s15 =	sadd.s32 $0x80, s15;
	s14 =	sadd.s32 $0x40, s14;
	[tilespmem:v2+s8+$0x0] =	vst.idx.add.f32.msk $0xffff, v1  }
.Ltmp4:
0x39: {  	(pc) =	sbr.rel @p0 .LBB2_7-.Ltmp4, $1  }
0x3a: {  	_ =	sdelay $0x3  }
0x3b: {  	_ =	swait.ge [sflag:s7], $0x400  }
0x3c: {  	[sflag:s7] =	ssyncset.done $0x0  }
0x3d: {  	[sflag:s7] =	ssyncadd.s32 $0xFFFFFC00  }
0x3e: {  	v2 =	vld [tilespmem:$0x4E00];
	_ =	sdelay $0x7  }
0x3f: {  	[tilespmem:v2+s8+$0x0] =	vst.idx.add.f32.msk $0xffff, v1  }
0x40: {  	v2 =	vld [tilespmem:$0x4E10];
	_ =	sdelay $0x7  }
0x41: {  	[tilespmem:v2+s8+$0x0] =	vst.idx.add.f32.msk $0xffff, v1  }
0x42: {  	v2 =	vld [tilespmem:$0x4E20];
	_ =	sdelay $0x7  }
0x43: {  	[tilespmem:v2+s8+$0x0] =	vst.idx.add.f32.msk $0xffff, v1  }
0x44: {  	v2 =	vld [tilespmem:$0x4E30];
	_ =	sdelay $0x7  }
0x45: {  	[tilespmem:v2+s8+$0x0] =	vst.idx.add.f32.msk $0xffff, v1  }
0x46: {  	v2 =	vld [tilespmem:$0x4E40];
	_ =	sdelay $0x7  }
0x47: {  	[tilespmem:v2+s8+$0x0] =	vst.idx.add.f32.msk $0xffff, v1  }
0x48: {  	v2 =	vld [tilespmem:$0x4E50];
	_ =	sdelay $0x7  }
0x49: {  	[tilespmem:v2+s8+$0x0] =	vst.idx.add.f32.msk $0xffff, v1  }
0x4a: {  	v2 =	vld [tilespmem:$0x4E60];
	_ =	sdelay $0x7  }
0x4b: {  	[tilespmem:v2+s8+$0x0] =	vst.idx.add.f32.msk $0xffff, v1  }
0x4c: {  	v2 =	vld [tilespmem:$0x4E70];
	_ =	sdelay $0x7  }
0x4d: {  	[tilespmem:v2+s8+$0x0] =	vst.idx.add.f32.msk $0xffff, v1  }
0x4e: {  	v2 =	vld [tilespmem:$0x4F00];
	_ =	sdelay $0x7  }
0x4f: {  	[tilespmem:v2+s8+$0x0] =	vst.idx.add.f32.msk $0xffff, v1  }
0x50: {  	v2 =	vld [tilespmem:$0x4F10];
	_ =	sdelay $0x7  }
0x51: {  	[tilespmem:v2+s8+$0x0] =	vst.idx.add.f32.msk $0xffff, v1  }
0x52: {  	v2 =	vld [tilespmem:$0x4F20];
	_ =	sdelay $0x7  }
0x53: {  	[tilespmem:v2+s8+$0x0] =	vst.idx.add.f32.msk $0xffff, v1  }
0x54: {  	v2 =	vld [tilespmem:$0x4F30];
	_ =	sdelay $0x7  }
0x55: {  	[tilespmem:v2+s8+$0x0] =	vst.idx.add.f32.msk $0xffff, v1  }
0x56: {  	v2 =	vld [tilespmem:$0x4F40];
	_ =	sdelay $0x7  }
0x57: {  	[tilespmem:v2+s8+$0x0] =	vst.idx.add.f32.msk $0xffff, v1  }
0x58: {  	v2 =	vld [tilespmem:$0x4F50];
	_ =	sdelay $0x7  }
0x59: {  	[tilespmem:v2+s8+$0x0] =	vst.idx.add.f32.msk $0xffff, v1  }
0x5a: {  	v2 =	vld [tilespmem:$0x4F60];
	_ =	sdelay $0x7  }
0x5b: {  	[tilespmem:v2+s8+$0x0] =	vst.idx.add.f32.msk $0xffff, v1  }
0x5c: {  	v2 =	vld [tilespmem:$0x4F70];
	_ =	sdelay $0x7  }
0x5d: {  	[tilespmem:v2+s8+$0x0] =	vst.idx.add.f32.msk $0xffff, v1  }
0x5e: {  	v2 =	vld [tilespmem:$0x5000];
	_ =	sdelay $0x7  }
0x5f: {  	[tilespmem:v2+s8+$0x0] =	vst.idx.add.f32.msk $0xffff, v1  }
0x60: {  	v2 =	vld [tilespmem:$0x5010];
	_ =	sdelay $0x7  }
0x61: {  	[tilespmem:v2+s8+$0x0] =	vst.idx.add.f32.msk $0xffff, v1  }
0x62: {  	v2 =	vld [tilespmem:$0x5020];
	_ =	sdelay $0x7  }
0x63: {  	[tilespmem:v2+s8+$0x0] =	vst.idx.add.f32.msk $0xffff, v1  }
0x64: {  	v2 =	vld [tilespmem:$0x5030];
	_ =	sdelay $0x7  }
0x65: {  	[tilespmem:v2+s8+$0x0] =	vst.idx.add.f32.msk $0xffff, v1  }
0x66: {  	v2 =	vld [tilespmem:$0x5040];
	_ =	sdelay $0x7  }
0x67: {  	[tilespmem:v2+s8+$0x0] =	vst.idx.add.f32.msk $0xffff, v1  }
0x68: {  	v2 =	vld [tilespmem:$0x5050];
	_ =	sdelay $0x7  }
0x69: {  	[tilespmem:v2+s8+$0x0] =	vst.idx.add.f32.msk $0xffff, v1  }
0x6a: {  	v2 =	vld [tilespmem:$0x5060];
	_ =	sdelay $0x7  }
0x6b: {  	[tilespmem:v2+s8+$0x0] =	vst.idx.add.f32.msk $0xffff, v1  }
0x6c: {  	v2 =	vld [tilespmem:$0x5070];
	_ =	sdelay $0x7  }
0x6d: {  	[tilespmem:v2+s8+$0x0] =	vst.idx.add.f32.msk $0xffff, v1  }
0x6e: {  	v2 =	vld [tilespmem:$0x5100];
	_ =	sdelay $0x7  }
0x6f: {  	[tilespmem:v2+s8+$0x0] =	vst.idx.add.f32.msk $0xffff, v1  }
0x70: {  	v2 =	vld [tilespmem:$0x5110];
	_ =	sdelay $0x7  }
0x71: {  	[tilespmem:v2+s8+$0x0] =	vst.idx.add.f32.msk $0xffff, v1  }
0x72: {  	v2 =	vld [tilespmem:$0x5120];
	_ =	sdelay $0x7  }
0x73: {  	[tilespmem:v2+s8+$0x0] =	vst.idx.add.f32.msk $0xffff, v1  }
0x74: {  	v2 =	vld [tilespmem:$0x5130];
	_ =	sdelay $0x7  }
0x75: {  	[tilespmem:v2+s8+$0x0] =	vst.idx.add.f32.msk $0xffff, v1  }
0x76: {  	v2 =	vld [tilespmem:$0x5140];
	_ =	sdelay $0x7  }
0x77: {  	[tilespmem:v2+s8+$0x0] =	vst.idx.add.f32.msk $0xffff, v1  }
0x78: {  	v2 =	vld [tilespmem:$0x5150];
	_ =	sdelay $0x7  }
0x79: {  	[tilespmem:v2+s8+$0x0] =	vst.idx.add.f32.msk $0xffff, v1  }
0x7a: {  	v2 =	vld [tilespmem:$0x5160];
	_ =	sdelay $0x7  }
0x7b: {  	[tilespmem:v2+s8+$0x0] =	vst.idx.add.f32.msk $0xffff, v1  }
0x7c: {  	v2 =	vld [tilespmem:$0x5170];
	_ =	sdelay $0x3  }
.Ltmp5:
0x7d: {  	_ = 	snop;
	(pc) =	sbr.rel .LBB2_7-.Ltmp5, $2  }
0x7e: {  	_ =	sdelay $0x2  }
0x7f: {  	[tilespmem:v2+s8+$0x0] =	vst.idx.add.f32.msk $0xffff, v1  }
.LBB2_8:
0x80: {  	_ =	sfence.sel $0x180000  }
0x81: {  	[bflag:$0x0] =	sbarrier.arrive $0xFFFF  }
0x82: {  	p0 =	sne.s32 s0, $0x0;
	_ =	strace $0x90000047  }
0x83: {  	s0 =	sadd.s32 @!p0 $0x100000, s1;
	[bflag:$0x2] =	sbarrier.arrive $0xFFFF  }
0x84: {  	[sflag:s0] =	ssyncadd.tile.s32 @!p0 $0x1;
	_ =	shalt  }
.Lfunc_end2:
_tile_overlayer_lowered:
.L_overlay_start_2:
0x85: {  	(tag) =	ssettag $0x2  }
0x86: {  	s0 =	rddreg [dreg:$0x0];
	s2 =	stileid.u32  }
0x87: {  	s1 =	rddreg [dreg:$0x1];
	p0 =	sne.s32 s2, $0x0  }
0x88: {  	s3 =	rddreg [dreg:$0x2];
	[bflag:$0x3] =	sbarrier.arrive $0xFFFF;
	s2 =	simm.s32 @!p0 $0x1C02  }
0x89: {  	[timem:s3], [sflag:s2] =	dma.local @!p0 [hbm:s0], s1  }
0x8a: {  	s0 =	simm.s32 @!p0 $0x2  }
0x8b: {  	_ =	swait.ge @!p0 [sflag:s0], s1  }
0x8c: {  	s1 =	ssub.s32 @!p0 $0x0, s1;
	[sflag:s0] =	ssyncset.done @!p0 $0x0  }
0x8d: {  	[sflag:s0] =	ssyncadd.s32 @!p0 s1  }
0x8e: {  	[bflag:$0x3] =	sbarrier.arrive $0xFFFF  }
0x8f: {  	_ =	shalt  }

</sc_bundles>
